<compile_context>
chip_gen: v7x
topology: tpu7x:2x2x1
jax: 0.10.2.dev20260603
libtpu: 0.0.44.dev20260713+nightly
codegen_flags: <defaults>
</compile_context>

<pallas_src>
import jax
import jax.numpy as jnp
from jax import lax
from jax.experimental import pallas as pl
from jax.experimental.pallas import tpu as pltpu
from jax.experimental.pallas import tpu_sc as plsc

_GRID = 16
_STRIDE = 16
_BATCH = 16384
_NS, _L = 16, 16
_BPW = _BATCH // _NS
_TAB = _GRID * _GRID * 3


def _spline_body(a_hbm, b_hbm, tab_hbm, out_hbm, a_v, b_v, tab_v, out_v, sem):
    off = lax.axis_index("s") * _BPW
    copies = [
        pltpu.async_copy(a_hbm.at[pl.ds(off, _BPW)], a_v, sem),
        pltpu.async_copy(b_hbm.at[pl.ds(off, _BPW)], b_v, sem),
        pltpu.async_copy(tab_hbm, tab_v, sem),
    ]
    for c in copies:
        c.wait()

    @pl.loop(0, _BPW // _L, unroll=1)
    def _iter(j):
        av = a_v[pl.ds(j * _L, _L)]
        bv = b_v[pl.ds(j * _L, _L)]
        idx = (av & (_GRID * _STRIDE - _STRIDE)) | lax.shift_right_logical(bv, 4)
        idx3 = idx * 3
        offa = (av & (_STRIDE - 1)).astype(jnp.float32)
        offb = (bv & (_STRIDE - 1)).astype(jnp.float32)
        c0 = plsc.load_gather(tab_v, [idx3])
        c1 = plsc.load_gather(tab_v, [idx3 + 1])
        c2 = plsc.load_gather(tab_v, [idx3 + 2])
        out_v[pl.ds(j * _L, _L)] = c0 + c1 * offa + c2 * offb

    pltpu.sync_copy(out_v, out_hbm.at[pl.ds(off, _BPW)])


def kernel(a, b, coeffs):
    run = pl.kernel(
        _spline_body,
        out_type=jax.ShapeDtypeStruct((_BATCH,), jnp.float32),
        mesh=plsc.VectorSubcoreMesh(core_axis_name="c", subcore_axis_name="s",
                                    num_cores=1),
        compiler_params=pltpu.CompilerParams(
            needs_layout_passes=False,
            disable_bounds_checks=True,
            disable_semaphore_checks=True,
            skip_device_barrier=True,
        ),
        scratch_types=[
            pltpu.VMEM((_BPW,), jnp.int32),
            pltpu.VMEM((_BPW,), jnp.int32),
            pltpu.VMEM((_TAB,), jnp.float32),
            pltpu.VMEM((_BPW,), jnp.float32),
            pltpu.SemaphoreType.DMA,
        ],
    )
    out = run(a, b, coeffs.reshape(_TAB))
    return out.reshape(_BATCH, 1)

# --- scband reference (transcript-rebuilt; emitter-appended) ---
"""Pipeline reference for scband-spline2-d-51934744543483 (READ-ONLY COPY).

The authoritative reference and input builder live on the scoring server;
editing this copy changes nothing except your own understanding.
"""

import jax, jax.numpy as jnp
import numpy as np

GRID_SIZE = 16
INPUT_RANGE = 256
OUTPUT_FEATURES = 1
STRIDE = INPUT_RANGE // GRID_SIZE
BATCH = 16384


def _init_coeffs():
    # Replicates Spline2D._init_for_addition
    i = np.arange(GRID_SIZE)
    centers = i * STRIDE + STRIDE // 2  # [G]
    base = (centers[:, None] + centers[None, :]) % 256  # [G, G]
    coeffs = np.zeros((GRID_SIZE, GRID_SIZE, OUTPUT_FEATURES, 3), dtype=np.float32)
    coeffs[:, :, :, 0] = base[:, :, None].astype(np.float32)
    coeffs[:, :, :, 1] = 1.0
    coeffs[:, :, :, 2] = 1.0
    return jnp.asarray(coeffs)


def setup_inputs(seed: int = 0) -> dict:
    key = jax.random.key(seed)
    ka, kb = jax.random.split(key, 2)
    a = jax.random.randint(ka, (BATCH,), 0, 256, dtype=jnp.int64 if jax.config.jax_enable_x64 else jnp.int32).astype(jnp.int32)
    b = jax.random.randint(kb, (BATCH,), 0, 256, dtype=jnp.int32)
    coeffs = _init_coeffs()
    return {"a": a, "b": b, "coeffs": coeffs}


def reference(a, b, coeffs):
    # Faithful translation of Spline2D.forward
    af = a.reshape(-1).astype(jnp.float32)
    bf = b.reshape(-1).astype(jnp.float32)
    idx_a = jnp.clip((af / STRIDE).astype(jnp.int32), 0, GRID_SIZE - 1)
    idx_b = jnp.clip((bf / STRIDE).astype(jnp.int32), 0, GRID_SIZE - 1)
    off_a = jnp.mod(af, STRIDE)
    off_b = jnp.mod(bf, STRIDE)
    c = coeffs[idx_a, idx_b]  # gather -> [B, F, 3]
    base = c[:, :, 0]
    slope_a = c[:, :, 1]
    slope_b = c[:, :, 2]
    result = base + slope_a * off_a[:, None] + slope_b * off_b[:, None]
    return result

if __name__ == "__main__":
    import jax
    _d = setup_inputs()
    print(jax.jit(kernel)(*tuple(_d.values())))

</pallas_src>

<mosaic_0001>
#map = affine_map<(d0, d1) -> (0)>
module attributes {stable_mosaic.version = 14 : i64} {
  func.func @_spline_body(%arg0: i32, %arg1: i32, %arg2: memref<16384xi32, #tpu.memory_space<hbm>>, %arg3: memref<16384xi32, #tpu.memory_space<hbm>>, %arg4: memref<768xf32, #tpu.memory_space<hbm>>, %arg5: memref<16384xf32, #tpu.memory_space<hbm>>, %arg6: memref<1024xi32, #tpu.memory_space<vmem>>, %arg7: memref<1024xi32, #tpu.memory_space<vmem>>, %arg8: memref<768xf32, #tpu.memory_space<vmem>>, %arg9: memref<1024xf32, #tpu.memory_space<vmem>>, %arg10: memref<!tpu.dma_semaphore, #tpu.memory_space<semaphore_mem>>) attributes {dimension_semantics = [#tpu.dimension_semantics<core_parallel>, #tpu.dimension_semantics<subcore_parallel>], iteration_bounds = array<i64: 1, 16>, scalar_prefetch = 0 : i64, scratch_operands = 5 : i64, tpu.core_type = #tpu.core_type<sc_vector_subcore>, window_params = [{transform_indices = #map}, {transform_indices = #map}, {transform_indices = #map}, {transform_indices = #map}]} {
    %mul3A = arith.constant 1024 : i32
    %mul3A_0 = arith.muli %arg1, %mul3A : i32
    %dma_start3A = tpu.memref_slice %arg2[%mul3A_0] : memref<16384xi32, #tpu.memory_space<hbm>> -> memref<1024xi32, #tpu.memory_space<hbm>>
    %dma_start3A_1 = tpu.memref_slice %arg2[%mul3A_0] : memref<16384xi32, #tpu.memory_space<hbm>> -> memref<1024xi32, #tpu.memory_space<hbm>>
    tpu.enqueue_dma source(%dma_start3A_1 : memref<1024xi32, #tpu.memory_space<hbm>>) target(%arg6 : memref<1024xi32, #tpu.memory_space<vmem>>) target_semaphore(%arg10 : memref<!tpu.dma_semaphore, #tpu.memory_space<semaphore_mem>>)
    %dma_start3A_2 = tpu.memref_slice %arg3[%mul3A_0] : memref<16384xi32, #tpu.memory_space<hbm>> -> memref<1024xi32, #tpu.memory_space<hbm>>
    %dma_start3A_3 = tpu.memref_slice %arg3[%mul3A_0] : memref<16384xi32, #tpu.memory_space<hbm>> -> memref<1024xi32, #tpu.memory_space<hbm>>
    tpu.enqueue_dma source(%dma_start3A_3 : memref<1024xi32, #tpu.memory_space<hbm>>) target(%arg7 : memref<1024xi32, #tpu.memory_space<vmem>>) target_semaphore(%arg10 : memref<!tpu.dma_semaphore, #tpu.memory_space<semaphore_mem>>)
    tpu.enqueue_dma source(%arg4 : memref<768xf32, #tpu.memory_space<hbm>>) target(%arg8 : memref<768xf32, #tpu.memory_space<vmem>>) target_semaphore(%arg10 : memref<!tpu.dma_semaphore, #tpu.memory_space<semaphore_mem>>)
    %dma_wait3A = tpu.memref_slice %arg2[%mul3A_0] : memref<16384xi32, #tpu.memory_space<hbm>> -> memref<1024xi32, #tpu.memory_space<hbm>>
    %dma_wait3A_4 = tpu.memref_slice %arg2[%mul3A_0] : memref<16384xi32, #tpu.memory_space<hbm>> -> memref<1024xi32, #tpu.memory_space<hbm>>
    tpu.wait_dma2 semaphore(%arg10 : memref<!tpu.dma_semaphore, #tpu.memory_space<semaphore_mem>>) src(%dma_wait3A_4 : memref<1024xi32, #tpu.memory_space<hbm>>) dst(%arg6 : memref<1024xi32, #tpu.memory_space<vmem>>)
    %dma_wait3A_5 = tpu.memref_slice %arg3[%mul3A_0] : memref<16384xi32, #tpu.memory_space<hbm>> -> memref<1024xi32, #tpu.memory_space<hbm>>
    %dma_wait3A_6 = tpu.memref_slice %arg3[%mul3A_0] : memref<16384xi32, #tpu.memory_space<hbm>> -> memref<1024xi32, #tpu.memory_space<hbm>>
    tpu.wait_dma2 semaphore(%arg10 : memref<!tpu.dma_semaphore, #tpu.memory_space<semaphore_mem>>) src(%dma_wait3A_6 : memref<1024xi32, #tpu.memory_space<hbm>>) dst(%arg7 : memref<1024xi32, #tpu.memory_space<vmem>>)
    tpu.wait_dma2 semaphore(%arg10 : memref<!tpu.dma_semaphore, #tpu.memory_space<semaphore_mem>>) src(%arg4 : memref<768xf32, #tpu.memory_space<hbm>>) dst(%arg8 : memref<768xf32, #tpu.memory_space<vmem>>)
    %scan3A = arith.constant 0 : i32
    %scan3A_7 = arith.constant 64 : i32
    %scan3A_8 = arith.addi %scan3A, %scan3A_7 : i32
    %scan3A_9 = arith.constant 1 : i32
    scf.for %scan3A_11 = %scan3A to %scan3A_8 step %scan3A_9  : i32 {
      %mul3A_12 = arith.constant 1 : i32
      %mul3A_13 = arith.muli %scan3A_11, %mul3A_12 : i32
      %add3A = arith.constant 0 : i32
      %add3A_14 = arith.addi %add3A, %mul3A_13 : i32
      %mul3A_15 = arith.constant 16 : i32
      %mul3A_16 = arith.muli %add3A_14, %mul3A_15 : i32
      %get3A = arith.index_cast %mul3A_16 : i32 to index
      %get3A_17 = tpu.vector_load %arg6[%get3A] {strides = array<i32>} : memref<1024xi32, #tpu.memory_space<vmem>>, vector<16xi32>,
      %mul3A_18 = arith.constant 16 : i32
      %mul3A_19 = arith.muli %add3A_14, %mul3A_18 : i32
      %get3A_20 = arith.index_cast %mul3A_19 : i32 to index
      %get3A_21 = tpu.vector_load %arg7[%get3A_20] {strides = array<i32>} : memref<1024xi32, #tpu.memory_space<vmem>>, vector<16xi32>,
      %and3A = arith.constant 240 : i32
      %and3A_22 = vector.broadcast %and3A : i32 to vector<16xi32>
      %and3A_23 = arith.andi %get3A_17, %and3A_22 : vector<16xi32>
      %shift_right_logical3A = arith.constant 4 : i32
      %shift_right_logical3A_24 = vector.broadcast %shift_right_logical3A : i32 to vector<16xi32>
      %shift_right_logical3A_25 = arith.shrui %get3A_21, %shift_right_logical3A_24 : vector<16xi32>
      %or3A = arith.ori %and3A_23, %shift_right_logical3A_25 : vector<16xi32>
      %mul3A_26 = arith.constant 3 : i32
      %mul3A_27 = vector.broadcast %mul3A_26 : i32 to vector<16xi32>
      %mul3A_28 = arith.muli %or3A, %mul3A_27 : vector<16xi32>
      %and3A_29 = arith.constant 15 : i32
      %and3A_30 = vector.broadcast %and3A_29 : i32 to vector<16xi32>
      %and3A_31 = arith.andi %get3A_17, %and3A_30 : vector<16xi32>
      %convert_element_type3A = arith.sitofp %and3A_31 : vector<16xi32> to vector<16xf32>
      %and3A_32 = arith.constant 15 : i32
      %and3A_33 = vector.broadcast %and3A_32 : i32 to vector<16xi32>
      %and3A_34 = arith.andi %get3A_21, %and3A_33 : vector<16xi32>
      %convert_element_type3A_35 = arith.sitofp %and3A_34 : vector<16xi32> to vector<16xf32>
      %gather3A = tpu.vector_load_idx %arg8[%mul3A_28] : memref<768xf32, #tpu.memory_space<vmem>>[vector<16xi32>], vector<16xf32>,
      %add3A_36 = arith.constant 1 : i32
      %add3A_37 = vector.broadcast %add3A_36 : i32 to vector<16xi32>
      %add3A_38 = arith.addi %mul3A_28, %add3A_37 : vector<16xi32>
      %gather3A_39 = tpu.vector_load_idx %arg8[%add3A_38] : memref<768xf32, #tpu.memory_space<vmem>>[vector<16xi32>], vector<16xf32>,
      %add3A_40 = arith.constant 2 : i32
      %add3A_41 = vector.broadcast %add3A_40 : i32 to vector<16xi32>
      %add3A_42 = arith.addi %mul3A_28, %add3A_41 : vector<16xi32>
      %gather3A_43 = tpu.vector_load_idx %arg8[%add3A_42] : memref<768xf32, #tpu.memory_space<vmem>>[vector<16xi32>], vector<16xf32>,
      %mul3A_44 = arith.mulf %gather3A_39, %convert_element_type3A : vector<16xf32>
      %add3A_45 = arith.addf %gather3A, %mul3A_44 : vector<16xf32>
      %mul3A_46 = arith.mulf %gather3A_43, %convert_element_type3A_35 : vector<16xf32>
      %add3A_47 = arith.addf %add3A_45, %mul3A_46 : vector<16xf32>
      %mul3A_48 = arith.constant 16 : i32
      %mul3A_49 = arith.muli %add3A_14, %mul3A_48 : i32
      %swap3A = arith.index_cast %mul3A_49 : i32 to index
      %swap3A_50 = tpu.vector_load %arg9[%swap3A] {strides = array<i32>} : memref<1024xf32, #tpu.memory_space<vmem>>, vector<16xf32>,
      tpu.vector_store %arg9[%swap3A], %add3A_47 {strides = array<i32>} : memref<1024xf32, #tpu.memory_space<vmem>>, vector<16xf32>,
    }
    %scan3A_10 = arith.constant 64 : i32
    "tpu.region"() ({
      %run_scoped3A = tpu.sem_alloc : memref<!tpu.dma_semaphore, #tpu.memory_space<semaphore_mem>>
      %dma_start3A_11 = tpu.memref_slice %arg5[%mul3A_0] : memref<16384xf32, #tpu.memory_space<hbm>> -> memref<1024xf32, #tpu.memory_space<hbm>>
      %dma_start3A_12 = tpu.memref_slice %arg5[%mul3A_0] : memref<16384xf32, #tpu.memory_space<hbm>> -> memref<1024xf32, #tpu.memory_space<hbm>>
      tpu.enqueue_dma source(%arg9 : memref<1024xf32, #tpu.memory_space<vmem>>) target(%dma_start3A_12 : memref<1024xf32, #tpu.memory_space<hbm>>) target_semaphore(%run_scoped3A : memref<!tpu.dma_semaphore, #tpu.memory_space<semaphore_mem>>)
      %dma_wait3A_13 = tpu.memref_slice %arg5[%mul3A_0] : memref<16384xf32, #tpu.memory_space<hbm>> -> memref<1024xf32, #tpu.memory_space<hbm>>
      %dma_wait3A_14 = tpu.memref_slice %arg5[%mul3A_0] : memref<16384xf32, #tpu.memory_space<hbm>> -> memref<1024xf32, #tpu.memory_space<hbm>>
      tpu.wait_dma2 semaphore(%run_scoped3A : memref<!tpu.dma_semaphore, #tpu.memory_space<semaphore_mem>>) src(%arg9 : memref<1024xf32, #tpu.memory_space<vmem>>) dst(%dma_wait3A_14 : memref<1024xf32, #tpu.memory_space<hbm>>)
      tpu.yield
    }) : () -> ()
    return
  }
}

</mosaic_0001>

<sc_bundles>
// kernel: kernel.3.cloned.1.call-start
scs
__scs_entry_jumppad:
0x0: {  	(pc) =	sbr.rel $0x88, $3  }
0x1: {  	(tag) =	ssettag $0x0;
	lr =	simm.s32 $0x1  }
0x2: {  	[smem:$0x3F9E] =	sst lr;
	_ =	strace $0xD0000000  }
0x3: {  	_ = 	snop  }
0x4: {  	_ = 	snop  }
0x5: {  	_ = 	snop  }
0x6: {  	_ = 	snop  }
0x7: {  	_ = 	snop  }
__scs_overlays_trampoline_lowered:
0x8: {  	[smem:$0x3FAD] =	sst s0  }
0x9: {  	[smem:$0x3FAE] =	sst s1  }
0xa: {  	[smem:$0x3FAF] =	sst s2  }
0xb: {  	[smem:$0x3FB0] =	sst s3  }
0xc: {  	[smem:$0x3FB1] =	sst s4  }
0xd: {  	[smem:$0x3FB2] =	sst s5  }
0xe: {  	[smem:$0x3FB3] =	sst s6  }
0xf: {  	[smem:$0x3FB4] =	sst s7  }
0x10: {  	[smem:$0x3FB5] =	sst s8  }
0x11: {  	[smem:$0x3FB6] =	sst s9;
	s0 =	simm.s32 @!p0 $0x0  }
0x12: {  	s1 =	sld [smem:$0x3F9C];
	s0 =	simm.s32 @p0 $0x1  }
0x13: {  	[smem:$0x3FB7] =	sst s0;
	s0 =	simm.s32 @!p1 $0x0  }
0x14: {  	s2 =	sld [smem:$0x3F9B];
	s0 =	simm.s32 @p1 $0x1  }
0x15: {  	[smem:$0x3FB8] =	sst s0;
	s0 =	simm.s32 @!p2 $0x0  }
0x16: {  	s3 =	sld [smem:$0x3FDB];
	s0 =	simm.s32 @p2 $0x1  }
0x17: {  	s4 =	simm.s32 $0x1BF5;
	[smem:$0x3FBA] =	sst s0  }
0x18: {  	s0 =	sld [smem:$0x3F9D];
	_ =	swait.ge [sflag:s4], $0x0  }
0x19: {  	s7 =	sld [smem:$0x3F9E]  }
0x1a: {  	s8 =	sadd.s32 $0xFFFFE003, lr  }
0x1b: {  	s9 =	sadd.s32 $0xFFFFFEF7, lr;
	s5 =	simm.s32 $0xFFFFFFFF;
	p2 =	slt.u32 s8, $0xFFFFF086  }
0x1c: {  	p1 =	slt.u32 s9, $0xF7A;
	s5 =	simm.s32 @!p2 $0x0  }
0x1d: {  	s5 =	simm.s32 @p1 $0x1;
	p0 =	seq.s32 s7, s2  }
0x1e: {  	s7 =	smul.u32 @!p0 $0xF7A, s2;
	p2 =	seq.s32 @!p0 s5, $0x0  }
0x1f: {  	s9 =	smul.u32 $0xF7A, s1;
	s8 =	simm.s32 @!p0 $0x1BF5;
	p2 =	por !p2, p0  }
0x20: {  	[sflag:s8] =	ssyncset.s32 @!p0 $0xFFFFF086;
	s6 =	sadd.s32 @!p0 s3, s7;
	s7 =	simm.s32 @!p0 $0x108  }
0x21: {  	s3 =	sadd.s32 s3, s9;
	s6 =	sadd.s32 @!p0 $0x88, s6;
	s7 =	simm.s32 @p2 $0x1082  }
0x22: {  	[simem:s7], [sflag:s8] =	dma.local @!p0 [hbm:s6], $0xF7A  }
0x23: {  	s9 =	sor.u32 $0xD0000000, s2;
	s6 =	simm.s32 $0x108;
	_ =	swait.ge @!p0 [sflag:s8], $0x0  }
0x24: {  	s3 =	sadd.s32 $0x88, s3;
	s6 =	simm.s32 @!p1 $0x1082;
	[sflag:s4] =	ssyncset.s32 $0xFFFFF086  }
0x25: {  	[simem:s6], [sflag:s4] =	dma.local [hbm:s3], $0xF7A  }
0x26: {  	[smem:$0x3F9E] =	sst s1;
	(tag) =	ssettag s2;
	_ =	strace s9  }
0x27: {  	s1 =	sld [smem:$0x3FAE]  }
0x28: {  	s2 =	sld [smem:$0x3FAF]  }
0x29: {  	s4 =	sld [smem:$0x3FB1]  }
0x2a: {  	p0 =	seq.s32 s5, $0x0;
	s5 =	sld [smem:$0x3FB2]  }
0x2b: {  	s6 =	sld [smem:$0x3FB3]  }
0x2c: {  	s7 =	sld [smem:$0x3FB4]  }
0x2d: {  	s3 =	simm.s32 $0x108;
	s8 =	sld [smem:$0x3FB5]  }
0x2e: {  	s3 =	simm.s32 @!p0 $0x1082;
	s9 =	sld [smem:$0x3FB6]  }
0x2f: {  	lr =	sadd.s32 s0, s3;
	s0 =	sld [smem:$0x3FAD]  }
0x30: {  	s3 =	sld [smem:$0x3FB0]  }
0x31: {  	[smem:$0x3FB9] =	sst s10  }
0x32: {  	s10 =	sld [smem:$0x3FB7];
	_ =	sdelay $0x3  }
0x33: {  	p0 =	seq.s32 s10, $0x1;
	s10 =	sld [smem:$0x3FB9];
	_ =	sdelay $0x3  }
0x34: {  	[smem:$0x3FB9] =	sst s10  }
0x35: {  	s10 =	sld [smem:$0x3FB8];
	_ =	sdelay $0x3  }
0x36: {  	p1 =	seq.s32 s10, $0x1;
	s10 =	sld [smem:$0x3FB9];
	_ =	sdelay $0x3  }
0x37: {  	[smem:$0x3FB9] =	sst s10  }
0x38: {  	s10 =	sld [smem:$0x3FBA]  }
0x39: {  	_ = 	snop;
	(pc) =	sbr.ind lr, $3  }
0x3a: {  	_ = 	snop  }
0x3b: {  	_ = 	snop  }
0x3c: {  	p2 =	seq.s32 s10, $0x1;
	s10 =	sld [smem:$0x3FB9]  }
0x3d: {  	_ =	shalt  }
0x3e: {  	_ =	shalt  }
0x3f: {  	_ =	shalt  }
0x40: {  	_ =	shalt  }
0x41: {  	_ =	shalt  }
0x42: {  	_ =	shalt  }
0x43: {  	_ =	shalt  }
0x44: {  	_ =	shalt  }
0x45: {  	_ =	shalt  }
0x46: {  	_ =	shalt  }
0x47: {  	_ =	shalt  }
0x48: {  	_ =	shalt  }
0x49: {  	_ =	shalt  }
0x4a: {  	_ =	shalt  }
0x4b: {  	_ =	shalt  }
0x4c: {  	_ =	shalt  }
0x4d: {  	_ =	shalt  }
0x4e: {  	_ =	shalt  }
0x4f: {  	_ =	shalt  }
0x50: {  	_ =	shalt  }
0x51: {  	_ =	shalt  }
0x52: {  	_ =	shalt  }
0x53: {  	_ =	shalt  }
0x54: {  	_ =	shalt  }
0x55: {  	_ =	shalt  }
0x56: {  	_ =	shalt  }
0x57: {  	_ =	shalt  }
0x58: {  	_ =	shalt  }
0x59: {  	_ =	shalt  }
0x5a: {  	_ =	shalt  }
0x5b: {  	_ =	shalt  }
0x5c: {  	_ =	shalt  }
0x5d: {  	_ =	shalt  }
0x5e: {  	_ =	shalt  }
0x5f: {  	_ =	shalt  }
0x60: {  	_ =	shalt  }
0x61: {  	_ =	shalt  }
0x62: {  	_ =	shalt  }
0x63: {  	_ =	shalt  }
0x64: {  	_ =	shalt  }
0x65: {  	_ =	shalt  }
0x66: {  	_ =	shalt  }
0x67: {  	_ =	shalt  }
0x68: {  	_ =	shalt  }
0x69: {  	_ =	shalt  }
0x6a: {  	_ =	shalt  }
0x6b: {  	_ =	shalt  }
0x6c: {  	_ =	shalt  }
0x6d: {  	_ =	shalt  }
0x6e: {  	_ =	shalt  }
0x6f: {  	_ =	shalt  }
0x70: {  	_ =	shalt  }
0x71: {  	_ =	shalt  }
0x72: {  	_ =	shalt  }
0x73: {  	_ =	shalt  }
0x74: {  	_ =	shalt  }
0x75: {  	_ =	shalt  }
0x76: {  	_ =	shalt  }
0x77: {  	_ =	shalt  }
0x78: {  	_ =	shalt  }
0x79: {  	_ =	shalt  }
0x7a: {  	_ =	shalt  }
0x7b: {  	_ =	shalt  }
0x7c: {  	_ =	shalt  }
0x7d: {  	_ =	shalt  }
0x7e: {  	_ =	shalt  }
0x7f: {  	_ =	shalt  }
0x80: {  	_ =	shalt  }
0x81: {  	_ =	shalt  }
0x82: {  	_ =	shalt  }
0x83: {  	_ =	shalt  }
0x84: {  	_ =	shalt  }
0x85: {  	_ =	shalt  }
0x86: {  	_ =	shalt  }
0x87: {  	_ =	shalt  }
.Lfunc_end0:
.L_simem_size_0:
called_computation_lowered:
.L_overlay_start_0:
0x88: {  	s0 =	sld [smem:$0x3FD9]  }
0x89: {  	s1 =	sld [smem:$0x3FFE];
	_ =	sdelay $0x3  }
0x8a: {  	s0 =	sadd.s32 s1, s0  }
0x8b: {  	[smem:$0x3FC5] =	sst s0  }
0x8c: {  	_ = 	snop  }
0x8d: {  	s0 =	sld [smem:$0x3FC9]  }
0x8e: {  	s16 =	sld [smem:$0x3FC8]  }
0x8f: {  	s2 =	sld [smem:$0x3FD0];
	(tm) =	ssettm $0x1  }
0x90: {  	s3 =	sld [smem:$0x3FFB];
	_ =	sdelay $0x3  }
0x91: {  	_ =	strace s3  }
0x92: {  	s3 =	sld [smem:$0x3FFC];
	_ =	sdelay $0x3  }
0x93: {  	_ =	strace s3  }
0x94: {  	s3 =	sld [smem:$0x3FFD];
	_ =	sdelay $0x3  }
0x95: {  	_ =	strace s3  }
0x96: {  	_ =	strace $0x8FFFFFFF  }
0x97: {  	s17 =	sld [smem:$0x3FDB];
	_ =	sdelay $0x1  }
0x98: {  	s4 =	simm.s32 $_scs_section_size  }
0x99: {  	s5 =	simm.s32 $_size__tile_overlayer_lowered;
	s6 =	simm.s32 $_tile_overlayer_lowered  }
0x9a: {  	s20 =	simm.s32 $0x1BFF;
	s19 =	sshll.u32 s6, $0x1;
	s3 =	sadd.s32 s4, s17  }
0x9b: {  	s7 =	simm.s32 $0x0;
	s18 =	sshll.u32 s5, $0x1;
	s5 =	sadd.s32 s19, s3  }
0x9c: {  	[timem:s7], [sflag:s20] =	dma.local [hbm:s5], s18  }
0x9d: {  	_ =	swait.ge [sflag:s20], s18  }
0x9e: {  	s4 =	ssub.s32 $0x0, s18;
	[sflag:s20] =	ssyncset.done $0x0  }
0x9f: {  	[sflag:s20] =	ssyncadd.s32 s4;
	_ =	sdelay $0x1  }
0xa0: {  	s21 =	simm.s32 $0x1B8B  }
0xa1: {  	_ =	swait.ge [sflag:s21], $0x1  }
0xa2: {  	[sflag:s21] =	ssyncset.done $0x0  }
0xa3: {  	s23 =	simm.s32 $0x1B8E;
	s22 =	sld [smem:$0x3FFE];
	[sflag:s21] =	ssyncadd.s32 $0xFFFFFFFF  }
0xa4: {  	s24 =	simm.s32 $execute0_lowered;
	[smem:$0x3FD2] =	sst s23  }
0xa5: {  	s5 =	sshll.u32 s24, $0x1;
	_ =	strace $0x80000046;
	[dreg:$0x1] =	wrdreg $0xFFFFFFFF  }
0xa6: {  	s25 =	simm.s32 $_size_execute0_lowered;
	s3 =	sadd.s32 s3, s5;
	[dreg:$0x0] =	wrdreg $0x0  }
0xa7: {  	s5 =	sshll.u32 s25, $0x1;
	[dreg:$0x2] =	wrdreg s3  }
0xa8: {  	[dreg:$0x3] =	wrdreg s5  }
0xa9: {  	[dreg:$0x4] =	wrdreg $0xC0  }
0xaa: {  	_ =	task [dreg:s7], $0x5FFFF  }
0xab: {  	[dreg:$0x1] =	wrdreg $0xFFFFFFFF  }
0xac: {  	[dreg:$0x0] =	wrdreg $0x60  }
0xad: {  	[dreg:$0x2] =	wrdreg s0  }
0xae: {  	[dreg:$0x3] =	wrdreg s16  }
0xaf: {  	[dreg:$0x4] =	wrdreg s22  }
0xb0: {  	[dreg:$0x5] =	wrdreg s2  }
0xb1: {  	[dreg:$0x6] =	wrdreg $0x9  }
0xb2: {  	_ =	task.clear_ibuf [dreg:s7], $0x7FFFF;
	_ =	strace $0x90000046  }
0xb3: {  	s26 =	simm.s32 $0x9;
	_ =	strace $0x80000048  }
0xb4: {  	_ =	swait.ge [sflag:s26], $0x1  }
0xb5: {  	[sflag:s26] =	ssyncadd.s32 $0xFFFFFFFF  }
0xb6: {  	_ =	strace $0x90000048  }
0xb7: {  	_ =	sfence  }
0xb8: {  	s28 =	sld [smem:$0x0];
	_ =	sdelay $0x1  }
0xb9: {  	s29 =	srdreg.scid  }
0xba: {  	s30 =	sshll.u32 s29, $0xD;
	s31 =	sshrl.u32 s29, $0x2  }
0xbb: {  	s1 =	sand.u32 $0x1, s29;
	s2 =	sand.u32 $0x4000, s30;
	s0 =	sadd.s32 s31, s28  }
0xbc: {  	s1 =	sor.u32 s2, s1;
	s0 =	sshll.u32 s0, $0x11  }
0xbd: {  	s0 =	sor.u32 s0, s1  }
0xbe: {  	s0 =	sadd.s32 $0x8F2B, s0  }
0xbf: {  	[sflag:s0] =	ssyncadd.remote.s32 $0x1  }
0xc0: {  	_ =	sfence.sel $0xFFFF  }
0xc1: {  	[dreg:$0x0] =	wrdreg $0xFFFFFFFF;
	(pc) =	sbr.abs _section_cstart, $3  }
0xc2: {  	[dreg:$0x1] =	wrdreg $0xFFFFFFFF  }
0xc3: {  	_ =	task.clear_ibuf [dreg:s7], $0x2FFFF;
	_ =	strace $0x9FFFFFFF  }
0xc4: {  	(tm) =	ssettm $0x7FFFFFFF  }
0xc5: {  	_ =	shalt  }
tec
execute0_lowered:
.L_overlay_start_1:
0x0: {  	(tag) =	ssettag $0x1  }
0x1: {  	s4 =	rddreg [dreg:$0x0]  }
0x2: {  	s5 =	rddreg [dreg:$0x1]  }
0x3: {  	s6 =	rddreg [dreg:$0x2]  }
0x4: {  	s2 =	rddreg [dreg:$0x3];
	s7 =	simm.s32 $0x0;
	s1 =	stileid.u32  }
0x5: {  	[smem:$0x7FF] =	sst s7;
	s3 =	sshll.u32 s1, $0x7  }
0x6: {  	s0 =	rddreg [dreg:$0x4];
	_ =	strace $0x80000047;
	s4 =	sadd.s32 s4, s3  }
0x7: {  	[tilespmem:s7], [sflag:$0x1] =	stream.linear.gather [hbm4b:s4+s7], $0x400, $0x38;
	[tilespmem:$0xF00] =	vst v63  }
0x8: {  	s29 =	simm.s32 $0x400;
	s28 =	sadd.s32 s5, s3  }
0x9: {  	[tilespmem:s29], [sflag:$0x1] =	stream.linear.gather [hbm4b:s28+s7], $0x400, $0x38;
	[tilespmem:$0xF00] =	vst v63  }
0xa: {  	s31 =	simm.s32 $0x1;
	s30 =	sadd.s32 $0x400, s6;
	s4 =	simm.s32 $0x800  }
0xb: {  	[tilespmem:s4], [sflag:$0x1] =	stream.linear.gather [hbm4b:s30+s7], $0x300, $0x38;
	[tilespmem:$0xF00] =	vst v63  }
0xc: {  	_ =	swait.ge [sflag:s31], $0x400  }
0xd: {  	[sflag:s31] =	ssyncset.done $0x0  }
0xe: {  	[sflag:s31] =	ssyncadd.s32 $0xFFFFFC00  }
0xf: {  	_ =	swait.ge [sflag:s31], $0x400  }
0x10: {  	[sflag:s31] =	ssyncset.done $0x0  }
0x11: {  	[sflag:s31] =	ssyncadd.s32 $0xFFFFFC00  }
0x12: {  	_ =	swait.ge [sflag:s31], $0x300  }
0x13: {  	[sflag:s31] =	ssyncset.done $0x0  }
0x14: {  	s6 =	simm.s32 $0x0;
	[sflag:s31] =	ssyncadd.s32 $0xFFFFFD00  }
0x15: {  	v2 =	vld [tilespmem:s6+$0x0]  }
0x16: {  	v3 =	vld [tilespmem:s6+$0x400];
	_ =	sdelay $0x4  }
0x17: {  	v0 =	vand.u32 $0xF0, v2;
	v1 =	vshrl.u32 v3, $0x4  }
0x18: {  	v0 =	vor.u32 v0, v1  }
0x19: {  	v4 =	vmul.u32 $0x3, v0;
	_ =	sdelay $0x1  }
0x1a: {  	v5 =	vadd.s32 $0x1, v4  }
0x1b: {  	s5 =	simm.s32 $0x10  }
0x1c: {  	v1 =	vld [tilespmem:s5+$0x0];
	v6 =	vadd.s32 $0x2, v4  }
0x1d: {  	v0 =	vld [tilespmem:s5+$0x400];
	_ =	sdelay $0x1  }
0x1e: {  	v5 =	vld.idx.msk [tilespmem:v5+s4+$0x0], $0xffff  }
0x1f: {  	v4 =	vld.idx.msk [tilespmem:v4+s4+$0x0], $0xffff  }
0x20: {  	v2 =	vand.u32 $0xF, v2;
	v3 =	vand.u32 $0xF, v3;
	v6 =	vld.idx.msk [tilespmem:v6+s4+$0x0], $0xffff  }
0x21: {  	v2 =	vcvt.s32.f32 v2;
	v7 =	vand.u32 $0xF0, v1;
	v8 =	vshrl.u32 v0, $0x4  }
0x22: {  	v9 =	vcvt.s32.f32 v3;
	v3 =	vor.u32 v7, v8  }
0x23: {  	v3 =	vmul.u32 $0x3, v3;
	v2 =	vmul.f32 v2, v5;
	_ =	sdelay $0x1  }
0x24: {  	v6 =	vmul.f32 v9, v6;
	v2 =	vadd.f32 v2, v4;
	v4 =	vadd.s32 $0x1, v3;
	_ =	sdelay $0x1  }
0x25: {  	s7 =	simm.s32 $0x20;
	v5 =	vadd.s32 $0x2, v3;
	v6 =	vadd.f32 v6, v2  }
0x26: {  	s8 =	simm.s32 $0xC0;
	v2 =	vld [tilespmem:s7+$0x0]  }
.LBB2_1:
0x27: {  	p0 =	sne.s32 s8, $0xFC0;
	v7 =	vld [tilespmem:s7+$0x400];
	[tilespmem:s6+$0xB00] =	vst v6;
	s6 =	smov.u32 s5;
	s5 =	smov.u32 s7  }
0x28: {  	v4 =	vld.idx.msk [tilespmem:v4+s4+$0x0], $0xffff  }
0x29: {  	v6 =	vld.idx.msk [tilespmem:v3+s4+$0x0], $0xffff  }
0x2a: {  	v5 =	vld.idx.msk [tilespmem:v5+s4+$0x0], $0xffff  }
0x2b: {  	v3 =	vand.u32 $0xF, v1;
	v1 =	vmov v2  }
0x2c: {  	v9 =	vcvt.s32.f32 v3;
	v2 =	vand.u32 $0xF0, v1;
	v8 =	vshrl.u32 v7, $0x4  }
0x2d: {  	v2 =	vor.u32 v2, v8;
	v8 =	vand.u32 $0xF, v0;
	v0 =	vmov v7  }
0x2e: {  	v7 =	vmul.f32 v9, v4;
	v3 =	vmul.u32 $0x3, v2;
	v2 =	vcvt.s32.f32 v8  }
.Ltmp0:
0x2f: {  	(pc) =	sbr.rel @p0 .LBB2_1-.Ltmp0, $3  }
0x30: {  	v6 =	vadd.f32 v7, v6;
	v4 =	vadd.s32 $0x1, v3;
	v2 =	vmul.f32 v2, v5;
	_ =	sdelay $0x1  }
0x31: {  	s7 =	sshra.s32 s8, $0x2;
	v5 =	vadd.s32 $0x2, v3;
	v6 =	vadd.f32 v2, v6  }
0x32: {  	s8 =	sadd.s32 $0x40, s8;
	v2 =	vld [tilespmem:s7+$0x0]  }
0x33: {  	_ =	sdelay $0x1  }
0x34: {  	v7 =	vld [tilespmem:s7+$0x400]  }
0x35: {  	[tilespmem:s6+$0xB00] =	vst v6  }
0x36: {  	v4 =	vld.idx.msk [tilespmem:v4+s4+$0x0], $0xffff  }
0x37: {  	v3 =	vld.idx.msk [tilespmem:v3+s4+$0x0], $0xffff  }
0x38: {  	v1 =	vand.u32 $0xF, v1;
	v5 =	vld.idx.msk [tilespmem:v5+s4+$0x0], $0xffff  }
0x39: {  	v1 =	vcvt.s32.f32 v1;
	v57 =	vand.u32 $0xF0, v2;
	v8 =	vshrl.u32 v7, $0x4  }
0x3a: {  	v0 =	vand.u32 $0xF, v0;
	v6 =	vor.u32 v57, v8  }
0x3b: {  	v0 =	vcvt.s32.f32 v0;
	v1 =	vmul.f32 v1, v4;
	v6 =	vmul.u32 $0x3, v6;
	_ =	sdelay $0x1  }
0x3c: {  	v0 =	vmul.f32 v0, v5;
	v1 =	vadd.f32 v1, v3;
	v58 =	vadd.s32 $0x1, v6;
	_ =	sdelay $0x1  }
0x3d: {  	v59 =	vadd.s32 $0x2, v6;
	v0 =	vadd.f32 v0, v1;
	_ =	sdelay $0x1  }
0x3e: {  	[tilespmem:s5+$0xB00] =	vst v0  }
0x3f: {  	v0 =	vld.idx.msk [tilespmem:v58+s4+$0x0], $0xffff  }
0x40: {  	v60 =	vld.idx.msk [tilespmem:v6+s4+$0x0], $0xffff  }
0x41: {  	v61 =	vand.u32 $0xF, v2;
	v3 =	vld.idx.msk [tilespmem:v59+s4+$0x0], $0xffff  }
0x42: {  	v2 =	vcvt.s32.f32 v61  }
0x43: {  	v62 =	vand.u32 $0xF, v7  }
0x44: {  	v4 =	vcvt.s32.f32 v62;
	v0 =	vmul.f32 v2, v0;
	_ =	sdelay $0x1  }
0x45: {  	v63 =	vmul.f32 v4, v3;
	v0 =	vadd.f32 v0, v60;
	_ =	sdelay $0x1  }
0x46: {  	v0 =	vadd.f32 v63, v0  }
0x47: {  	s2 =	sadd.s32 s2, s3  }
0x48: {  	s29 =	simm.s32 $0x0;
	s30 =	simm.s32 $0xB00;
	s31 =	simm.s32 $0x2;
	[tilespmem:s7+$0xB00] =	vst v0  }
0x49: {  	[hbm4b:s2+s29] =	stream.linear.scatter [tilespmem:s30], [sflag:$0x2], $0x400, $0x38;
	[tilespmem:$0xF00] =	vst v63  }
0x4a: {  	_ =	swait.ge [sflag:s31], $0x400  }
0x4b: {  	[sflag:s31] =	ssyncset.done $0x0  }
0x4c: {  	[sflag:s31] =	ssyncadd.s32 $0xFFFFFC00  }
0x4d: {  	_ =	sfence.sel $0x180000  }
0x4e: {  	[bflag:$0x0] =	sbarrier.arrive $0xFFFF  }
0x4f: {  	p0 =	sne.s32 s1, $0x0;
	_ =	strace $0x90000047  }
0x50: {  	s0 =	sadd.s32 @!p0 $0x100000, s0;
	[bflag:$0x2] =	sbarrier.arrive $0xFFFF  }
0x51: {  	[sflag:s0] =	ssyncadd.tile.s32 @!p0 $0x1;
	_ =	shalt  }
.Lfunc_end2:
_tile_overlayer_lowered:
.L_overlay_start_2:
0x52: {  	(tag) =	ssettag $0x2  }
0x53: {  	s0 =	rddreg [dreg:$0x0];
	s2 =	stileid.u32  }
0x54: {  	s1 =	rddreg [dreg:$0x1];
	p0 =	sne.s32 s2, $0x0  }
0x55: {  	s3 =	rddreg [dreg:$0x2];
	[bflag:$0x3] =	sbarrier.arrive $0xFFFF;
	s2 =	simm.s32 @!p0 $0x1C02  }
0x56: {  	[timem:s3], [sflag:s2] =	dma.local @!p0 [hbm:s0], s1  }
0x57: {  	s0 =	simm.s32 @!p0 $0x2  }
0x58: {  	_ =	swait.ge @!p0 [sflag:s0], s1  }
0x59: {  	s1 =	ssub.s32 @!p0 $0x0, s1;
	[sflag:s0] =	ssyncset.done @!p0 $0x0  }
0x5a: {  	[sflag:s0] =	ssyncadd.s32 @!p0 s1  }
0x5b: {  	[bflag:$0x3] =	sbarrier.arrive $0xFFFF  }
0x5c: {  	_ =	shalt  }

</sc_bundles>
